<compile_context>
chip_gen: v7x
topology: tpu7x:2x2x1
jax: 0.10.2.dev20260603
libtpu: 0.0.44.dev20260713+nightly
codegen_flags: <defaults>
</compile_context>

<pallas_src>
import functools

import jax
import jax.numpy as jnp
from jax import lax
from jax.experimental import pallas as pl
from jax.experimental.pallas import tpu as pltpu
from jax.experimental.pallas import tpu_sc as plsc


def kernel(tokens, embed):
    B, S = tokens.shape
    V, D = embed.shape
    N = B * S

    info = plsc.get_sparse_core_info()
    NC, NS = info.num_cores, info.num_subcores
    NW = NC * NS
    CH = 128
    per_w = N // NW
    n_ch = per_w // CH

    tok2d = tokens.reshape(N // CH, CH).astype(jnp.int32)

    mesh = plsc.VectorSubcoreMesh(core_axis_name="c", subcore_axis_name="s")

    NBUF = 4
    LAG = 2
    n_grp = n_ch // NBUF

    @functools.partial(
        pl.kernel,
        mesh=mesh,
        out_type=jax.ShapeDtypeStruct((N, D), jnp.float32),
        scratch_types=[
            pltpu.VMEM((n_ch, CH), jnp.int32),
            pltpu.VMEM((NBUF, CH, D), jnp.float32),
            pltpu.VMEM_SHARED((V, D), jnp.float32),
        ] + [pltpu.SemaphoreType.DMA] * (2 * NBUF),
    )
    def gather_kernel(tok_hbm, tab_hbm, out_hbm, idx_v, rows_v, tab_sp, *sems):
        gsem, ssem = sems[:NBUF], sems[NBUF:]
        sid = lax.axis_index("s")
        wid = sid * NC + lax.axis_index("c")
        row0 = wid * n_ch

        @pl.when(sid == 0)
        def _():
            pltpu.sync_copy(tab_hbm, tab_sp)

        pltpu.sync_copy(tok_hbm.at[pl.ds(row0, n_ch)], idx_v)
        plsc.subcore_barrier()

        def g_copy(j, b):
            return pltpu.make_async_copy(
                tab_sp.at[idx_v.at[j]], rows_v.at[b], gsem[b])

        def s_copy(j, b):
            return pltpu.make_async_copy(
                rows_v.at[b], out_hbm.at[pl.ds((row0 + j) * CH, CH)], ssem[b])

        for j in range(LAG):
            g_copy(j, j % NBUF).start()

        def body(g, carry):
            for b in range(NBUF):
                j = g * NBUF + b
                g_copy(j, b).wait()
                s_copy(j, b).start()
                jp = j + LAG
                bp = (b + LAG) % NBUF

                @pl.when(jp < n_ch)
                def _():
                    @pl.when(jp >= NBUF)
                    def _():
                        s_copy(jp - NBUF, bp).wait()
                    g_copy(jp, bp).start()
            return carry

        lax.fori_loop(0, n_grp, body, 0)

        for b in range(NBUF):
            s_copy(n_ch - NBUF + b, b).wait()

    out = gather_kernel(tok2d, embed)
    return out.reshape(B, S, D)

# --- scband reference (transcript-rebuilt; emitter-appended) ---
"""Pipeline reference for scband-encodec-euclidean-codebook-57312043598085 (READ-ONLY COPY).

The authoritative reference and input builder live on the scoring server;
editing this copy changes nothing except your own understanding.
"""

import jax, jax.numpy as jnp
import numpy as np

CODEBOOK_SIZE = 2048
CODEBOOK_DIM = 128
BATCH = 32
SEQ = 8192


def setup_inputs(seed: int = 0) -> dict:
    key = jax.random.key(seed)
    k1, k2 = jax.random.split(key)
    tokens = jax.random.randint(
        k1,
        (BATCH, SEQ),
        0,
        CODEBOOK_SIZE,
        dtype=jnp.int64 if jax.config.jax_enable_x64 else jnp.int32,
    )
    embed = jax.random.normal(k2, (CODEBOOK_SIZE, CODEBOOK_DIM), dtype=jnp.float32)
    return {"tokens": tokens, "embed": embed}


def reference(tokens, embed):
    # F.embedding(tokens, embed) -> gather rows of the codebook
    return jnp.take(embed, tokens, axis=0)

if __name__ == "__main__":
    import jax
    _d = setup_inputs()
    print(jax.jit(kernel)(*tuple(_d.values())))

</pallas_src>

<mosaic_0001>
#map = affine_map<(d0, d1) -> (0, 0)>
module attributes {stable_mosaic.version = 14 : i64} {
  func.func @gather_kernel(%arg0: i32, %arg1: i32, %arg2: memref<2048x128xi32, #tpu.memory_space<hbm>>, %arg3: memref<2048x128xf32, #tpu.memory_space<hbm>>, %arg4: memref<262144x128xf32, #tpu.memory_space<hbm>>, %arg5: memref<64x128xi32, #tpu.memory_space<vmem>>, %arg6: memref<4x128x128xf32, #tpu.memory_space<vmem>>, %arg7: memref<2048x128xf32, #tpu.memory_space<vmem_shared>>, %arg8: memref<!tpu.dma_semaphore, #tpu.memory_space<semaphore_mem>>, %arg9: memref<!tpu.dma_semaphore, #tpu.memory_space<semaphore_mem>>, %arg10: memref<!tpu.dma_semaphore, #tpu.memory_space<semaphore_mem>>, %arg11: memref<!tpu.dma_semaphore, #tpu.memory_space<semaphore_mem>>, %arg12: memref<!tpu.dma_semaphore, #tpu.memory_space<semaphore_mem>>, %arg13: memref<!tpu.dma_semaphore, #tpu.memory_space<semaphore_mem>>, %arg14: memref<!tpu.dma_semaphore, #tpu.memory_space<semaphore_mem>>, %arg15: memref<!tpu.dma_semaphore, #tpu.memory_space<semaphore_mem>>) attributes {dimension_semantics = [#tpu.dimension_semantics<core_parallel>, #tpu.dimension_semantics<subcore_parallel>], iteration_bounds = array<i64: 2, 16>, scalar_prefetch = 0 : i64, scratch_operands = 11 : i64, tpu.core_type = #tpu.core_type<sc_vector_subcore>, window_params = [{transform_indices = #map}, {transform_indices = #map}, {transform_indices = #map}]} {
    %mul3A = arith.constant 2 : i32
    %mul3A_0 = arith.muli %arg1, %mul3A : i32
    %add3A = arith.addi %mul3A_0, %arg0 : i32
    %mul3A_1 = arith.constant 64 : i32
    %mul3A_2 = arith.muli %add3A, %mul3A_1 : i32
    %eq3A = arith.constant 0 : i32
    %eq3A_3 = arith.cmpi eq, %arg1, %eq3A : i32
    %convert_element_type3A = arith.extui %eq3A_3 : i1 to i32
    %cond3A = arith.constant 0 : i32
    %cond3A_4 = arith.cmpi ne, %convert_element_type3A, %cond3A : i32
    scf.if %cond3A_4 {
      "tpu.region"() ({
        %run_scoped3A = tpu.sem_alloc : memref<!tpu.dma_semaphore, #tpu.memory_space<semaphore_mem>>
        tpu.enqueue_dma source(%arg3 : memref<2048x128xf32, #tpu.memory_space<hbm>>) target(%arg7 : memref<2048x128xf32, #tpu.memory_space<vmem_shared>>) target_semaphore(%run_scoped3A : memref<!tpu.dma_semaphore, #tpu.memory_space<semaphore_mem>>)
        tpu.wait_dma2 semaphore(%run_scoped3A : memref<!tpu.dma_semaphore, #tpu.memory_space<semaphore_mem>>) src(%arg3 : memref<2048x128xf32, #tpu.memory_space<hbm>>) dst(%arg7 : memref<2048x128xf32, #tpu.memory_space<vmem_shared>>)
        tpu.yield
      }) : () -> ()
    } else {
    }
    "tpu.region"() ({
      %run_scoped3A = tpu.sem_alloc : memref<!tpu.dma_semaphore, #tpu.memory_space<semaphore_mem>>
      %dma_start3A_100 = arith.constant 0 : i32
      %dma_start3A_101 = tpu.memref_slice %arg2[%mul3A_2, %dma_start3A_100] : memref<2048x128xi32, #tpu.memory_space<hbm>> -> memref<64x128xi32, #tpu.memory_space<hbm>>
      %dma_start3A_102 = arith.constant 0 : i32
      %dma_start3A_103 = tpu.memref_slice %arg2[%mul3A_2, %dma_start3A_102] : memref<2048x128xi32, #tpu.memory_space<hbm>> -> memref<64x128xi32, #tpu.memory_space<hbm>>
      tpu.enqueue_dma source(%dma_start3A_103 : memref<64x128xi32, #tpu.memory_space<hbm>>) target(%arg5 : memref<64x128xi32, #tpu.memory_space<vmem>>) target_semaphore(%run_scoped3A : memref<!tpu.dma_semaphore, #tpu.memory_space<semaphore_mem>>)
      %dma_wait3A_104 = arith.constant 0 : i32
      %dma_wait3A_105 = tpu.memref_slice %arg2[%mul3A_2, %dma_wait3A_104] : memref<2048x128xi32, #tpu.memory_space<hbm>> -> memref<64x128xi32, #tpu.memory_space<hbm>>
      %dma_wait3A_106 = arith.constant 0 : i32
      %dma_wait3A_107 = tpu.memref_slice %arg2[%mul3A_2, %dma_wait3A_106] : memref<2048x128xi32, #tpu.memory_space<hbm>> -> memref<64x128xi32, #tpu.memory_space<hbm>>
      tpu.wait_dma2 semaphore(%run_scoped3A : memref<!tpu.dma_semaphore, #tpu.memory_space<semaphore_mem>>) src(%dma_wait3A_107 : memref<64x128xi32, #tpu.memory_space<hbm>>) dst(%arg5 : memref<64x128xi32, #tpu.memory_space<vmem>>)
      tpu.yield
    }) : () -> ()
    %barrier3A = arith.constant 0 : index
    tpu.barrier barrier_id(%barrier3A)
    %dma_start3A = arith.constant 0 : i32
    %dma_start3A_5 = arith.constant 0 : i32
    %dma_start3A_6 = arith.constant 0 : i32
    %dma_start3A_7 = arith.constant 0 : i32
    %dma_start3A_8 = tpu.memref_slice %arg6[%dma_start3A_5, %dma_start3A_6, %dma_start3A_7] : memref<4x128x128xf32, #tpu.memory_space<vmem>> -> memref<1x128x128xf32, #tpu.memory_space<vmem>>
    %dma_start3A_9 = tpu.memref_squeeze %dma_start3A_8 : memref<1x128x128xf32, #tpu.memory_space<vmem>> -> memref<128x128xf32, #tpu.memory_space<vmem>>
    %dma_start3A_10 = arith.constant 0 : i32
    %dma_start3A_11 = tpu.memref_slice %arg5[%dma_start3A, %dma_start3A_10] : memref<64x128xi32, #tpu.memory_space<vmem>> -> memref<1x128xi32, #tpu.memory_space<vmem>>
    %dma_start3A_12 = tpu.memref_squeeze %dma_start3A_11 : memref<1x128xi32, #tpu.memory_space<vmem>> -> memref<128xi32, #tpu.memory_space<vmem>>
    %dma_start3A_13 = arith.constant 0 : i32
    %dma_start3A_14 = arith.constant 0 : i32
    %dma_start3A_15 = tpu.memref_slice %arg7[%dma_start3A_13, %dma_start3A_14] : memref<2048x128xf32, #tpu.memory_space<vmem_shared>> -> memref<2048x128xf32, #tpu.memory_space<vmem_shared>>
    tpu.enqueue_indirect_dma source(%dma_start3A_15 : memref<2048x128xf32, #tpu.memory_space<vmem_shared>>) target(%dma_start3A_9 : memref<128x128xf32, #tpu.memory_space<vmem>>) offsets(%dma_start3A_12 : memref<128xi32, #tpu.memory_space<vmem>>) semaphore(%arg8 : memref<!tpu.dma_semaphore, #tpu.memory_space<semaphore_mem>>)
    %dma_start3A_16 = arith.constant 1 : i32
    %dma_start3A_17 = arith.constant 1 : i32
    %dma_start3A_18 = arith.constant 0 : i32
    %dma_start3A_19 = arith.constant 0 : i32
    %dma_start3A_20 = tpu.memref_slice %arg6[%dma_start3A_17, %dma_start3A_18, %dma_start3A_19] : memref<4x128x128xf32, #tpu.memory_space<vmem>> -> memref<1x128x128xf32, #tpu.memory_space<vmem>>
    %dma_start3A_21 = tpu.memref_squeeze %dma_start3A_20 : memref<1x128x128xf32, #tpu.memory_space<vmem>> -> memref<128x128xf32, #tpu.memory_space<vmem>>
    %dma_start3A_22 = arith.constant 0 : i32
    %dma_start3A_23 = tpu.memref_slice %arg5[%dma_start3A_16, %dma_start3A_22] : memref<64x128xi32, #tpu.memory_space<vmem>> -> memref<1x128xi32, #tpu.memory_space<vmem>>
    %dma_start3A_24 = tpu.memref_squeeze %dma_start3A_23 : memref<1x128xi32, #tpu.memory_space<vmem>> -> memref<128xi32, #tpu.memory_space<vmem>>
    %dma_start3A_25 = arith.constant 0 : i32
    %dma_start3A_26 = arith.constant 0 : i32
    %dma_start3A_27 = tpu.memref_slice %arg7[%dma_start3A_25, %dma_start3A_26] : memref<2048x128xf32, #tpu.memory_space<vmem_shared>> -> memref<2048x128xf32, #tpu.memory_space<vmem_shared>>
    tpu.enqueue_indirect_dma source(%dma_start3A_27 : memref<2048x128xf32, #tpu.memory_space<vmem_shared>>) target(%dma_start3A_21 : memref<128x128xf32, #tpu.memory_space<vmem>>) offsets(%dma_start3A_24 : memref<128xi32, #tpu.memory_space<vmem>>) semaphore(%arg9 : memref<!tpu.dma_semaphore, #tpu.memory_space<semaphore_mem>>)
    %scan3A = arith.constant 0 : i32
    %scan3A_28 = arith.constant 0 : i32
    %scan3A_29 = arith.constant 16 : i32
    %scan3A_30 = arith.addi %scan3A_28, %scan3A_29 : i32
    %scan3A_31 = arith.constant 1 : i32
    scf.for %scan3A_100 = %scan3A_28 to %scan3A_30 step %scan3A_31  : i32 {
      %mul3A_101 = arith.constant 4 : i32
      %mul3A_102 = arith.muli %scan3A_100, %mul3A_101 : i32
      %add3A_103 = arith.constant 0 : i32
      %add3A_104 = arith.addi %mul3A_102, %add3A_103 : i32
      %dma_wait3A_105 = arith.constant 0 : i32
      %dma_wait3A_106 = arith.constant 0 : i32
      %dma_wait3A_107 = arith.constant 0 : i32
      %dma_wait3A_108 = tpu.memref_slice %arg6[%dma_wait3A_105, %dma_wait3A_106, %dma_wait3A_107] : memref<4x128x128xf32, #tpu.memory_space<vmem>> -> memref<1x128x128xf32, #tpu.memory_space<vmem>>
      %dma_wait3A_109 = tpu.memref_squeeze %dma_wait3A_108 : memref<1x128x128xf32, #tpu.memory_space<vmem>> -> memref<128x128xf32, #tpu.memory_space<vmem>>
      %dma_wait3A_110 = arith.constant 0 : i32
      %dma_wait3A_111 = tpu.memref_slice %arg5[%add3A_104, %dma_wait3A_110] : memref<64x128xi32, #tpu.memory_space<vmem>> -> memref<1x128xi32, #tpu.memory_space<vmem>>
      %dma_wait3A_112 = tpu.memref_squeeze %dma_wait3A_111 : memref<1x128xi32, #tpu.memory_space<vmem>> -> memref<128xi32, #tpu.memory_space<vmem>>
      %dma_wait3A_113 = arith.constant 0 : i32
      %dma_wait3A_114 = arith.constant 0 : i32
      %dma_wait3A_115 = tpu.memref_slice %arg7[%dma_wait3A_113, %dma_wait3A_114] : memref<2048x128xf32, #tpu.memory_space<vmem_shared>> -> memref<2048x128xf32, #tpu.memory_space<vmem_shared>>
      tpu.wait_indirect_dma semaphore(%arg8 : memref<!tpu.dma_semaphore, #tpu.memory_space<semaphore_mem>>) src(%dma_wait3A_115 : memref<2048x128xf32, #tpu.memory_space<vmem_shared>>) dst(%dma_wait3A_109 : memref<128x128xf32, #tpu.memory_space<vmem>>)
      %add3A_116 = arith.addi %mul3A_2, %add3A_104 : i32
      %mul3A_117 = arith.constant 128 : i32
      %mul3A_118 = arith.muli %add3A_116, %mul3A_117 : i32
      %dma_start3A_119 = arith.constant 0 : i32
      %dma_start3A_120 = arith.constant 0 : i32
      %dma_start3A_121 = arith.constant 0 : i32
      %dma_start3A_122 = tpu.memref_slice %arg6[%dma_start3A_119, %dma_start3A_120, %dma_start3A_121] : memref<4x128x128xf32, #tpu.memory_space<vmem>> -> memref<1x128x128xf32, #tpu.memory_space<vmem>>
      %dma_start3A_123 = tpu.memref_squeeze %dma_start3A_122 : memref<1x128x128xf32, #tpu.memory_space<vmem>> -> memref<128x128xf32, #tpu.memory_space<vmem>>
      %dma_start3A_124 = arith.constant 0 : i32
      %dma_start3A_125 = tpu.memref_slice %arg4[%mul3A_118, %dma_start3A_124] : memref<262144x128xf32, #tpu.memory_space<hbm>> -> memref<128x128xf32, #tpu.memory_space<hbm>>
      %dma_start3A_126 = arith.constant 0 : i32
      %dma_start3A_127 = tpu.memref_slice %arg4[%mul3A_118, %dma_start3A_126] : memref<262144x128xf32, #tpu.memory_space<hbm>> -> memref<128x128xf32, #tpu.memory_space<hbm>>
      %dma_start3A_128 = arith.constant 0 : i32
      %dma_start3A_129 = arith.constant 0 : i32
      %dma_start3A_130 = tpu.memref_slice %arg6[%dma_start3A_119, %dma_start3A_128, %dma_start3A_129] : memref<4x128x128xf32, #tpu.memory_space<vmem>> -> memref<1x128x128xf32, #tpu.memory_space<vmem>>
      %dma_start3A_131 = tpu.memref_squeeze %dma_start3A_130 : memref<1x128x128xf32, #tpu.memory_space<vmem>> -> memref<128x128xf32, #tpu.memory_space<vmem>>
      tpu.enqueue_dma source(%dma_start3A_131 : memref<128x128xf32, #tpu.memory_space<vmem>>) target(%dma_start3A_127 : memref<128x128xf32, #tpu.memory_space<hbm>>) target_semaphore(%arg12 : memref<!tpu.dma_semaphore, #tpu.memory_space<semaphore_mem>>)
      %add3A_132 = arith.constant 2 : i32
      %add3A_133 = arith.addi %add3A_104, %add3A_132 : i32
      %lt3A = arith.constant 64 : i32
      %lt3A_134 = arith.cmpi slt, %add3A_133, %lt3A : i32
      %convert_element_type3A_135 = arith.extui %lt3A_134 : i1 to i32
      %cond3A_136 = arith.constant 0 : i32
      %cond3A_137 = arith.cmpi ne, %convert_element_type3A_135, %cond3A_136 : i32
      scf.if %cond3A_137 {
        %ge3A = arith.constant 4 : i32
        %ge3A_252 = arith.cmpi sge, %add3A_133, %ge3A : i32
        %convert_element_type3A_253 = arith.extui %ge3A_252 : i1 to i32
        %cond3A_254 = arith.constant 0 : i32
        %cond3A_255 = arith.cmpi ne, %convert_element_type3A_253, %cond3A_254 : i32
        scf.if %cond3A_255 {
          %sub3A = arith.constant 4 : i32
          %sub3A_267 = arith.subi %add3A_133, %sub3A : i32
          %add3A_268 = arith.addi %mul3A_2, %sub3A_267 : i32
          %mul3A_269 = arith.constant 128 : i32
          %mul3A_270 = arith.muli %add3A_268, %mul3A_269 : i32
          %dma_wait3A_271 = arith.constant 2 : i32
          %dma_wait3A_272 = arith.constant 0 : i32
          %dma_wait3A_273 = arith.constant 0 : i32
          %dma_wait3A_274 = tpu.memref_slice %arg6[%dma_wait3A_271, %dma_wait3A_272, %dma_wait3A_273] : memref<4x128x128xf32, #tpu.memory_space<vmem>> -> memref<1x128x128xf32, #tpu.memory_space<vmem>>
          %dma_wait3A_275 = tpu.memref_squeeze %dma_wait3A_274 : memref<1x128x128xf32, #tpu.memory_space<vmem>> -> memref<128x128xf32, #tpu.memory_space<vmem>>
          %dma_wait3A_276 = arith.constant 0 : i32
          %dma_wait3A_277 = tpu.memref_slice %arg4[%mul3A_270, %dma_wait3A_276] : memref<262144x128xf32, #tpu.memory_space<hbm>> -> memref<128x128xf32, #tpu.memory_space<hbm>>
          %dma_wait3A_278 = arith.constant 0 : i32
          %dma_wait3A_279 = tpu.memref_slice %arg4[%mul3A_270, %dma_wait3A_278] : memref<262144x128xf32, #tpu.memory_space<hbm>> -> memref<128x128xf32, #tpu.memory_space<hbm>>
          %dma_wait3A_280 = arith.constant 0 : i32
          %dma_wait3A_281 = arith.constant 0 : i32
          %dma_wait3A_282 = tpu.memref_slice %arg6[%dma_wait3A_271, %dma_wait3A_280, %dma_wait3A_281] : memref<4x128x128xf32, #tpu.memory_space<vmem>> -> memref<1x128x128xf32, #tpu.memory_space<vmem>>
          %dma_wait3A_283 = tpu.memref_squeeze %dma_wait3A_282 : memref<1x128x128xf32, #tpu.memory_space<vmem>> -> memref<128x128xf32, #tpu.memory_space<vmem>>
          tpu.wait_dma2 semaphore(%arg14 : memref<!tpu.dma_semaphore, #tpu.memory_space<semaphore_mem>>) src(%dma_wait3A_283 : memref<128x128xf32, #tpu.memory_space<vmem>>) dst(%dma_wait3A_279 : memref<128x128xf32, #tpu.memory_space<hbm>>)
        } else {
        }
        %dma_start3A_256 = arith.constant 2 : i32
        %dma_start3A_257 = arith.constant 0 : i32
        %dma_start3A_258 = arith.constant 0 : i32
        %dma_start3A_259 = tpu.memref_slice %arg6[%dma_start3A_256, %dma_start3A_257, %dma_start3A_258] : memref<4x128x128xf32, #tpu.memory_space<vmem>> -> memref<1x128x128xf32, #tpu.memory_space<vmem>>
        %dma_start3A_260 = tpu.memref_squeeze %dma_start3A_259 : memref<1x128x128xf32, #tpu.memory_space<vmem>> -> memref<128x128xf32, #tpu.memory_space<vmem>>
        %dma_start3A_261 = arith.constant 0 : i32
        %dma_start3A_262 = tpu.memref_slice %arg5[%add3A_133, %dma_start3A_261] : memref<64x128xi32, #tpu.memory_space<vmem>> -> memref<1x128xi32, #tpu.memory_space<vmem>>
        %dma_start3A_263 = tpu.memref_squeeze %dma_start3A_262 : memref<1x128xi32, #tpu.memory_space<vmem>> -> memref<128xi32, #tpu.memory_space<vmem>>
        %dma_start3A_264 = arith.constant 0 : i32
        %dma_start3A_265 = arith.constant 0 : i32
        %dma_start3A_266 = tpu.memref_slice %arg7[%dma_start3A_264, %dma_start3A_265] : memref<2048x128xf32, #tpu.memory_space<vmem_shared>> -> memref<2048x128xf32, #tpu.memory_space<vmem_shared>>
        tpu.enqueue_indirect_dma source(%dma_start3A_266 : memref<2048x128xf32, #tpu.memory_space<vmem_shared>>) target(%dma_start3A_260 : memref<128x128xf32, #tpu.memory_space<vmem>>) offsets(%dma_start3A_263 : memref<128xi32, #tpu.memory_space<vmem>>) semaphore(%arg10 : memref<!tpu.dma_semaphore, #tpu.memory_space<semaphore_mem>>)
      } else {
      }
      %mul3A_138 = arith.constant 4 : i32
      %mul3A_139 = arith.muli %scan3A_100, %mul3A_138 : i32
      %add3A_140 = arith.constant 1 : i32
      %add3A_141 = arith.addi %mul3A_139, %add3A_140 : i32
      %dma_wait3A_142 = arith.constant 1 : i32
      %dma_wait3A_143 = arith.constant 0 : i32
      %dma_wait3A_144 = arith.constant 0 : i32
      %dma_wait3A_145 = tpu.memref_slice %arg6[%dma_wait3A_142, %dma_wait3A_143, %dma_wait3A_144] : memref<4x128x128xf32, #tpu.memory_space<vmem>> -> memref<1x128x128xf32, #tpu.memory_space<vmem>>
      %dma_wait3A_146 = tpu.memref_squeeze %dma_wait3A_145 : memref<1x128x128xf32, #tpu.memory_space<vmem>> -> memref<128x128xf32, #tpu.memory_space<vmem>>
      %dma_wait3A_147 = arith.constant 0 : i32
      %dma_wait3A_148 = tpu.memref_slice %arg5[%add3A_141, %dma_wait3A_147] : memref<64x128xi32, #tpu.memory_space<vmem>> -> memref<1x128xi32, #tpu.memory_space<vmem>>
      %dma_wait3A_149 = tpu.memref_squeeze %dma_wait3A_148 : memref<1x128xi32, #tpu.memory_space<vmem>> -> memref<128xi32, #tpu.memory_space<vmem>>
      %dma_wait3A_150 = arith.constant 0 : i32
      %dma_wait3A_151 = arith.constant 0 : i32
      %dma_wait3A_152 = tpu.memref_slice %arg7[%dma_wait3A_150, %dma_wait3A_151] : memref<2048x128xf32, #tpu.memory_space<vmem_shared>> -> memref<2048x128xf32, #tpu.memory_space<vmem_shared>>
      tpu.wait_indirect_dma semaphore(%arg9 : memref<!tpu.dma_semaphore, #tpu.memory_space<semaphore_mem>>) src(%dma_wait3A_152 : memref<2048x128xf32, #tpu.memory_space<vmem_shared>>) dst(%dma_wait3A_146 : memref<128x128xf32, #tpu.memory_space<vmem>>)
      %add3A_153 = arith.addi %mul3A_2, %add3A_141 : i32
      %mul3A_154 = arith.constant 128 : i32
      %mul3A_155 = arith.muli %add3A_153, %mul3A_154 : i32
      %dma_start3A_156 = arith.constant 1 : i32
      %dma_start3A_157 = arith.constant 0 : i32
      %dma_start3A_158 = arith.constant 0 : i32
      %dma_start3A_159 = tpu.memref_slice %arg6[%dma_start3A_156, %dma_start3A_157, %dma_start3A_158] : memref<4x128x128xf32, #tpu.memory_space<vmem>> -> memref<1x128x128xf32, #tpu.memory_space<vmem>>
      %dma_start3A_160 = tpu.memref_squeeze %dma_start3A_159 : memref<1x128x128xf32, #tpu.memory_space<vmem>> -> memref<128x128xf32, #tpu.memory_space<vmem>>
      %dma_start3A_161 = arith.constant 0 : i32
      %dma_start3A_162 = tpu.memref_slice %arg4[%mul3A_155, %dma_start3A_161] : memref<262144x128xf32, #tpu.memory_space<hbm>> -> memref<128x128xf32, #tpu.memory_space<hbm>>
      %dma_start3A_163 = arith.constant 0 : i32
      %dma_start3A_164 = tpu.memref_slice %arg4[%mul3A_155, %dma_start3A_163] : memref<262144x128xf32, #tpu.memory_space<hbm>> -> memref<128x128xf32, #tpu.memory_space<hbm>>
      %dma_start3A_165 = arith.constant 0 : i32
      %dma_start3A_166 = arith.constant 0 : i32
      %dma_start3A_167 = tpu.memref_slice %arg6[%dma_start3A_156, %dma_start3A_165, %dma_start3A_166] : memref<4x128x128xf32, #tpu.memory_space<vmem>> -> memref<1x128x128xf32, #tpu.memory_space<vmem>>
      %dma_start3A_168 = tpu.memref_squeeze %dma_start3A_167 : memref<1x128x128xf32, #tpu.memory_space<vmem>> -> memref<128x128xf32, #tpu.memory_space<vmem>>
      tpu.enqueue_dma source(%dma_start3A_168 : memref<128x128xf32, #tpu.memory_space<vmem>>) target(%dma_start3A_164 : memref<128x128xf32, #tpu.memory_space<hbm>>) target_semaphore(%arg13 : memref<!tpu.dma_semaphore, #tpu.memory_space<semaphore_mem>>)
      %add3A_169 = arith.constant 2 : i32
      %add3A_170 = arith.addi %add3A_141, %add3A_169 : i32
      %lt3A_171 = arith.constant 64 : i32
      %lt3A_172 = arith.cmpi slt, %add3A_170, %lt3A_171 : i32
      %convert_element_type3A_173 = arith.extui %lt3A_172 : i1 to i32
      %cond3A_174 = arith.constant 0 : i32
      %cond3A_175 = arith.cmpi ne, %convert_element_type3A_173, %cond3A_174 : i32
      scf.if %cond3A_175 {
        %ge3A = arith.constant 4 : i32
        %ge3A_252 = arith.cmpi sge, %add3A_170, %ge3A : i32
        %convert_element_type3A_253 = arith.extui %ge3A_252 : i1 to i32
        %cond3A_254 = arith.constant 0 : i32
        %cond3A_255 = arith.cmpi ne, %convert_element_type3A_253, %cond3A_254 : i32
        scf.if %cond3A_255 {
          %sub3A = arith.constant 4 : i32
          %sub3A_267 = arith.subi %add3A_170, %sub3A : i32
          %add3A_268 = arith.addi %mul3A_2, %sub3A_267 : i32
          %mul3A_269 = arith.constant 128 : i32
          %mul3A_270 = arith.muli %add3A_268, %mul3A_269 : i32
          %dma_wait3A_271 = arith.constant 3 : i32
          %dma_wait3A_272 = arith.constant 0 : i32
          %dma_wait3A_273 = arith.constant 0 : i32
          %dma_wait3A_274 = tpu.memref_slice %arg6[%dma_wait3A_271, %dma_wait3A_272, %dma_wait3A_273] : memref<4x128x128xf32, #tpu.memory_space<vmem>> -> memref<1x128x128xf32, #tpu.memory_space<vmem>>
          %dma_wait3A_275 = tpu.memref_squeeze %dma_wait3A_274 : memref<1x128x128xf32, #tpu.memory_space<vmem>> -> memref<128x128xf32, #tpu.memory_space<vmem>>
          %dma_wait3A_276 = arith.constant 0 : i32
          %dma_wait3A_277 = tpu.memref_slice %arg4[%mul3A_270, %dma_wait3A_276] : memref<262144x128xf32, #tpu.memory_space<hbm>> -> memref<128x128xf32, #tpu.memory_space<hbm>>
          %dma_wait3A_278 = arith.constant 0 : i32
          %dma_wait3A_279 = tpu.memref_slice %arg4[%mul3A_270, %dma_wait3A_278] : memref<262144x128xf32, #tpu.memory_space<hbm>> -> memref<128x128xf32, #tpu.memory_space<hbm>>
          %dma_wait3A_280 = arith.constant 0 : i32
          %dma_wait3A_281 = arith.constant 0 : i32
          %dma_wait3A_282 = tpu.memref_slice %arg6[%dma_wait3A_271, %dma_wait3A_280, %dma_wait3A_281] : memref<4x128x128xf32, #tpu.memory_space<vmem>> -> memref<1x128x128xf32, #tpu.memory_space<vmem>>
          %dma_wait3A_283 = tpu.memref_squeeze %dma_wait3A_282 : memref<1x128x128xf32, #tpu.memory_space<vmem>> -> memref<128x128xf32, #tpu.memory_space<vmem>>
          tpu.wait_dma2 semaphore(%arg15 : memref<!tpu.dma_semaphore, #tpu.memory_space<semaphore_mem>>) src(%dma_wait3A_283 : memref<128x128xf32, #tpu.memory_space<vmem>>) dst(%dma_wait3A_279 : memref<128x128xf32, #tpu.memory_space<hbm>>)
        } else {
        }
        %dma_start3A_256 = arith.constant 3 : i32
        %dma_start3A_257 = arith.constant 0 : i32
        %dma_start3A_258 = arith.constant 0 : i32
        %dma_start3A_259 = tpu.memref_slice %arg6[%dma_start3A_256, %dma_start3A_257, %dma_start3A_258] : memref<4x128x128xf32, #tpu.memory_space<vmem>> -> memref<1x128x128xf32, #tpu.memory_space<vmem>>
        %dma_start3A_260 = tpu.memref_squeeze %dma_start3A_259 : memref<1x128x128xf32, #tpu.memory_space<vmem>> -> memref<128x128xf32, #tpu.memory_space<vmem>>
        %dma_start3A_261 = arith.constant 0 : i32
        %dma_start3A_262 = tpu.memref_slice %arg5[%add3A_170, %dma_start3A_261] : memref<64x128xi32, #tpu.memory_space<vmem>> -> memref<1x128xi32, #tpu.memory_space<vmem>>
        %dma_start3A_263 = tpu.memref_squeeze %dma_start3A_262 : memref<1x128xi32, #tpu.memory_space<vmem>> -> memref<128xi32, #tpu.memory_space<vmem>>
        %dma_start3A_264 = arith.constant 0 : i32
        %dma_start3A_265 = arith.constant 0 : i32
        %dma_start3A_266 = tpu.memref_slice %arg7[%dma_start3A_264, %dma_start3A_265] : memref<2048x128xf32, #tpu.memory_space<vmem_shared>> -> memref<2048x128xf32, #tpu.memory_space<vmem_shared>>
        tpu.enqueue_indirect_dma source(%dma_start3A_266 : memref<2048x128xf32, #tpu.memory_space<vmem_shared>>) target(%dma_start3A_260 : memref<128x128xf32, #tpu.memory_space<vmem>>) offsets(%dma_start3A_263 : memref<128xi32, #tpu.memory_space<vmem>>) semaphore(%arg11 : memref<!tpu.dma_semaphore, #tpu.memory_space<semaphore_mem>>)
      } else {
      }
      %mul3A_176 = arith.constant 4 : i32
      %mul3A_177 = arith.muli %scan3A_100, %mul3A_176 : i32
      %add3A_178 = arith.constant 2 : i32
      %add3A_179 = arith.addi %mul3A_177, %add3A_178 : i32
      %dma_wait3A_180 = arith.constant 2 : i32
      %dma_wait3A_181 = arith.constant 0 : i32
      %dma_wait3A_182 = arith.constant 0 : i32
      %dma_wait3A_183 = tpu.memref_slice %arg6[%dma_wait3A_180, %dma_wait3A_181, %dma_wait3A_182] : memref<4x128x128xf32, #tpu.memory_space<vmem>> -> memref<1x128x128xf32, #tpu.memory_space<vmem>>
      %dma_wait3A_184 = tpu.memref_squeeze %dma_wait3A_183 : memref<1x128x128xf32, #tpu.memory_space<vmem>> -> memref<128x128xf32, #tpu.memory_space<vmem>>
      %dma_wait3A_185 = arith.constant 0 : i32
      %dma_wait3A_186 = tpu.memref_slice %arg5[%add3A_179, %dma_wait3A_185] : memref<64x128xi32, #tpu.memory_space<vmem>> -> memref<1x128xi32, #tpu.memory_space<vmem>>
      %dma_wait3A_187 = tpu.memref_squeeze %dma_wait3A_186 : memref<1x128xi32, #tpu.memory_space<vmem>> -> memref<128xi32, #tpu.memory_space<vmem>>
      %dma_wait3A_188 = arith.constant 0 : i32
      %dma_wait3A_189 = arith.constant 0 : i32
      %dma_wait3A_190 = tpu.memref_slice %arg7[%dma_wait3A_188, %dma_wait3A_189] : memref<2048x128xf32, #tpu.memory_space<vmem_shared>> -> memref<2048x128xf32, #tpu.memory_space<vmem_shared>>
      tpu.wait_indirect_dma semaphore(%arg10 : memref<!tpu.dma_semaphore, #tpu.memory_space<semaphore_mem>>) src(%dma_wait3A_190 : memref<2048x128xf32, #tpu.memory_space<vmem_shared>>) dst(%dma_wait3A_184 : memref<128x128xf32, #tpu.memory_space<vmem>>)
      %add3A_191 = arith.addi %mul3A_2, %add3A_179 : i32
      %mul3A_192 = arith.constant 128 : i32
      %mul3A_193 = arith.muli %add3A_191, %mul3A_192 : i32
      %dma_start3A_194 = arith.constant 2 : i32
      %dma_start3A_195 = arith.constant 0 : i32
      %dma_start3A_196 = arith.constant 0 : i32
      %dma_start3A_197 = tpu.memref_slice %arg6[%dma_start3A_194, %dma_start3A_195, %dma_start3A_196] : memref<4x128x128xf32, #tpu.memory_space<vmem>> -> memref<1x128x128xf32, #tpu.memory_space<vmem>>
      %dma_start3A_198 = tpu.memref_squeeze %dma_start3A_197 : memref<1x128x128xf32, #tpu.memory_space<vmem>> -> memref<128x128xf32, #tpu.memory_space<vmem>>
      %dma_start3A_199 = arith.constant 0 : i32
      %dma_start3A_200 = tpu.memref_slice %arg4[%mul3A_193, %dma_start3A_199] : memref<262144x128xf32, #tpu.memory_space<hbm>> -> memref<128x128xf32, #tpu.memory_space<hbm>>
      %dma_start3A_201 = arith.constant 0 : i32
      %dma_start3A_202 = tpu.memref_slice %arg4[%mul3A_193, %dma_start3A_201] : memref<262144x128xf32, #tpu.memory_space<hbm>> -> memref<128x128xf32, #tpu.memory_space<hbm>>
      %dma_start3A_203 = arith.constant 0 : i32
      %dma_start3A_204 = arith.constant 0 : i32
      %dma_start3A_205 = tpu.memref_slice %arg6[%dma_start3A_194, %dma_start3A_203, %dma_start3A_204] : memref<4x128x128xf32, #tpu.memory_space<vmem>> -> memref<1x128x128xf32, #tpu.memory_space<vmem>>
      %dma_start3A_206 = tpu.memref_squeeze %dma_start3A_205 : memref<1x128x128xf32, #tpu.memory_space<vmem>> -> memref<128x128xf32, #tpu.memory_space<vmem>>
      tpu.enqueue_dma source(%dma_start3A_206 : memref<128x128xf32, #tpu.memory_space<vmem>>) target(%dma_start3A_202 : memref<128x128xf32, #tpu.memory_space<hbm>>) target_semaphore(%arg14 : memref<!tpu.dma_semaphore, #tpu.memory_space<semaphore_mem>>)
      %add3A_207 = arith.constant 2 : i32
      %add3A_208 = arith.addi %add3A_179, %add3A_207 : i32
      %lt3A_209 = arith.constant 64 : i32
      %lt3A_210 = arith.cmpi slt, %add3A_208, %lt3A_209 : i32
      %convert_element_type3A_211 = arith.extui %lt3A_210 : i1 to i32
      %cond3A_212 = arith.constant 0 : i32
      %cond3A_213 = arith.cmpi ne, %convert_element_type3A_211, %cond3A_212 : i32
      scf.if %cond3A_213 {
        %ge3A = arith.constant 4 : i32
        %ge3A_252 = arith.cmpi sge, %add3A_208, %ge3A : i32
        %convert_element_type3A_253 = arith.extui %ge3A_252 : i1 to i32
        %cond3A_254 = arith.constant 0 : i32
        %cond3A_255 = arith.cmpi ne, %convert_element_type3A_253, %cond3A_254 : i32
        scf.if %cond3A_255 {
          %sub3A = arith.constant 4 : i32
          %sub3A_267 = arith.subi %add3A_208, %sub3A : i32
          %add3A_268 = arith.addi %mul3A_2, %sub3A_267 : i32
          %mul3A_269 = arith.constant 128 : i32
          %mul3A_270 = arith.muli %add3A_268, %mul3A_269 : i32
          %dma_wait3A_271 = arith.constant 0 : i32
          %dma_wait3A_272 = arith.constant 0 : i32
          %dma_wait3A_273 = arith.constant 0 : i32
          %dma_wait3A_274 = tpu.memref_slice %arg6[%dma_wait3A_271, %dma_wait3A_272, %dma_wait3A_273] : memref<4x128x128xf32, #tpu.memory_space<vmem>> -> memref<1x128x128xf32, #tpu.memory_space<vmem>>
          %dma_wait3A_275 = tpu.memref_squeeze %dma_wait3A_274 : memref<1x128x128xf32, #tpu.memory_space<vmem>> -> memref<128x128xf32, #tpu.memory_space<vmem>>
          %dma_wait3A_276 = arith.constant 0 : i32
          %dma_wait3A_277 = tpu.memref_slice %arg4[%mul3A_270, %dma_wait3A_276] : memref<262144x128xf32, #tpu.memory_space<hbm>> -> memref<128x128xf32, #tpu.memory_space<hbm>>
          %dma_wait3A_278 = arith.constant 0 : i32
          %dma_wait3A_279 = tpu.memref_slice %arg4[%mul3A_270, %dma_wait3A_278] : memref<262144x128xf32, #tpu.memory_space<hbm>> -> memref<128x128xf32, #tpu.memory_space<hbm>>
          %dma_wait3A_280 = arith.constant 0 : i32
          %dma_wait3A_281 = arith.constant 0 : i32
          %dma_wait3A_282 = tpu.memref_slice %arg6[%dma_wait3A_271, %dma_wait3A_280, %dma_wait3A_281] : memref<4x128x128xf32, #tpu.memory_space<vmem>> -> memref<1x128x128xf32, #tpu.memory_space<vmem>>
          %dma_wait3A_283 = tpu.memref_squeeze %dma_wait3A_282 : memref<1x128x128xf32, #tpu.memory_space<vmem>> -> memref<128x128xf32, #tpu.memory_space<vmem>>
          tpu.wait_dma2 semaphore(%arg12 : memref<!tpu.dma_semaphore, #tpu.memory_space<semaphore_mem>>) src(%dma_wait3A_283 : memref<128x128xf32, #tpu.memory_space<vmem>>) dst(%dma_wait3A_279 : memref<128x128xf32, #tpu.memory_space<hbm>>)
        } else {
        }
        %dma_start3A_256 = arith.constant 0 : i32
        %dma_start3A_257 = arith.constant 0 : i32
        %dma_start3A_258 = arith.constant 0 : i32
        %dma_start3A_259 = tpu.memref_slice %arg6[%dma_start3A_256, %dma_start3A_257, %dma_start3A_258] : memref<4x128x128xf32, #tpu.memory_space<vmem>> -> memref<1x128x128xf32, #tpu.memory_space<vmem>>
        %dma_start3A_260 = tpu.memref_squeeze %dma_start3A_259 : memref<1x128x128xf32, #tpu.memory_space<vmem>> -> memref<128x128xf32, #tpu.memory_space<vmem>>
        %dma_start3A_261 = arith.constant 0 : i32
        %dma_start3A_262 = tpu.memref_slice %arg5[%add3A_208, %dma_start3A_261] : memref<64x128xi32, #tpu.memory_space<vmem>> -> memref<1x128xi32, #tpu.memory_space<vmem>>
        %dma_start3A_263 = tpu.memref_squeeze %dma_start3A_262 : memref<1x128xi32, #tpu.memory_space<vmem>> -> memref<128xi32, #tpu.memory_space<vmem>>
        %dma_start3A_264 = arith.constant 0 : i32
        %dma_start3A_265 = arith.constant 0 : i32
        %dma_start3A_266 = tpu.memref_slice %arg7[%dma_start3A_264, %dma_start3A_265] : memref<2048x128xf32, #tpu.memory_space<vmem_shared>> -> memref<2048x128xf32, #tpu.memory_space<vmem_shared>>
        tpu.enqueue_indirect_dma source(%dma_start3A_266 : memref<2048x128xf32, #tpu.memory_space<vmem_shared>>) target(%dma_start3A_260 : memref<128x128xf32, #tpu.memory_space<vmem>>) offsets(%dma_start3A_263 : memref<128xi32, #tpu.memory_space<vmem>>) semaphore(%arg8 : memref<!tpu.dma_semaphore, #tpu.memory_space<semaphore_mem>>)
      } else {
      }
      %mul3A_214 = arith.constant 4 : i32
      %mul3A_215 = arith.muli %scan3A_100, %mul3A_214 : i32
      %add3A_216 = arith.constant 3 : i32
      %add3A_217 = arith.addi %mul3A_215, %add3A_216 : i32
      %dma_wait3A_218 = arith.constant 3 : i32
      %dma_wait3A_219 = arith.constant 0 : i32
      %dma_wait3A_220 = arith.constant 0 : i32
      %dma_wait3A_221 = tpu.memref_slice %arg6[%dma_wait3A_218, %dma_wait3A_219, %dma_wait3A_220] : memref<4x128x128xf32, #tpu.memory_space<vmem>> -> memref<1x128x128xf32, #tpu.memory_space<vmem>>
      %dma_wait3A_222 = tpu.memref_squeeze %dma_wait3A_221 : memref<1x128x128xf32, #tpu.memory_space<vmem>> -> memref<128x128xf32, #tpu.memory_space<vmem>>
      %dma_wait3A_223 = arith.constant 0 : i32
      %dma_wait3A_224 = tpu.memref_slice %arg5[%add3A_217, %dma_wait3A_223] : memref<64x128xi32, #tpu.memory_space<vmem>> -> memref<1x128xi32, #tpu.memory_space<vmem>>
      %dma_wait3A_225 = tpu.memref_squeeze %dma_wait3A_224 : memref<1x128xi32, #tpu.memory_space<vmem>> -> memref<128xi32, #tpu.memory_space<vmem>>
      %dma_wait3A_226 = arith.constant 0 : i32
      %dma_wait3A_227 = arith.constant 0 : i32
      %dma_wait3A_228 = tpu.memref_slice %arg7[%dma_wait3A_226, %dma_wait3A_227] : memref<2048x128xf32, #tpu.memory_space<vmem_shared>> -> memref<2048x128xf32, #tpu.memory_space<vmem_shared>>
      tpu.wait_indirect_dma semaphore(%arg11 : memref<!tpu.dma_semaphore, #tpu.memory_space<semaphore_mem>>) src(%dma_wait3A_228 : memref<2048x128xf32, #tpu.memory_space<vmem_shared>>) dst(%dma_wait3A_222 : memref<128x128xf32, #tpu.memory_space<vmem>>)
      %add3A_229 = arith.addi %mul3A_2, %add3A_217 : i32
      %mul3A_230 = arith.constant 128 : i32
      %mul3A_231 = arith.muli %add3A_229, %mul3A_230 : i32
      %dma_start3A_232 = arith.constant 3 : i32
      %dma_start3A_233 = arith.constant 0 : i32
      %dma_start3A_234 = arith.constant 0 : i32
      %dma_start3A_235 = tpu.memref_slice %arg6[%dma_start3A_232, %dma_start3A_233, %dma_start3A_234] : memref<4x128x128xf32, #tpu.memory_space<vmem>> -> memref<1x128x128xf32, #tpu.memory_space<vmem>>
      %dma_start3A_236 = tpu.memref_squeeze %dma_start3A_235 : memref<1x128x128xf32, #tpu.memory_space<vmem>> -> memref<128x128xf32, #tpu.memory_space<vmem>>
      %dma_start3A_237 = arith.constant 0 : i32
      %dma_start3A_238 = tpu.memref_slice %arg4[%mul3A_231, %dma_start3A_237] : memref<262144x128xf32, #tpu.memory_space<hbm>> -> memref<128x128xf32, #tpu.memory_space<hbm>>
      %dma_start3A_239 = arith.constant 0 : i32
      %dma_start3A_240 = tpu.memref_slice %arg4[%mul3A_231, %dma_start3A_239] : memref<262144x128xf32, #tpu.memory_space<hbm>> -> memref<128x128xf32, #tpu.memory_space<hbm>>
      %dma_start3A_241 = arith.constant 0 : i32
      %dma_start3A_242 = arith.constant 0 : i32
      %dma_start3A_243 = tpu.memref_slice %arg6[%dma_start3A_232, %dma_start3A_241, %dma_start3A_242] : memref<4x128x128xf32, #tpu.memory_space<vmem>> -> memref<1x128x128xf32, #tpu.memory_space<vmem>>
      %dma_start3A_244 = tpu.memref_squeeze %dma_start3A_243 : memref<1x128x128xf32, #tpu.memory_space<vmem>> -> memref<128x128xf32, #tpu.memory_space<vmem>>
      tpu.enqueue_dma source(%dma_start3A_244 : memref<128x128xf32, #tpu.memory_space<vmem>>) target(%dma_start3A_240 : memref<128x128xf32, #tpu.memory_space<hbm>>) target_semaphore(%arg15 : memref<!tpu.dma_semaphore, #tpu.memory_space<semaphore_mem>>)
      %add3A_245 = arith.constant 2 : i32
      %add3A_246 = arith.addi %add3A_217, %add3A_245 : i32
      %lt3A_247 = arith.constant 64 : i32
      %lt3A_248 = arith.cmpi slt, %add3A_246, %lt3A_247 : i32
      %convert_element_type3A_249 = arith.extui %lt3A_248 : i1 to i32
      %cond3A_250 = arith.constant 0 : i32
      %cond3A_251 = arith.cmpi ne, %convert_element_type3A_249, %cond3A_250 : i32
      scf.if %cond3A_251 {
        %ge3A = arith.constant 4 : i32
        %ge3A_252 = arith.cmpi sge, %add3A_246, %ge3A : i32
        %convert_element_type3A_253 = arith.extui %ge3A_252 : i1 to i32
        %cond3A_254 = arith.constant 0 : i32
        %cond3A_255 = arith.cmpi ne, %convert_element_type3A_253, %cond3A_254 : i32
        scf.if %cond3A_255 {
          %sub3A = arith.constant 4 : i32
          %sub3A_267 = arith.subi %add3A_246, %sub3A : i32
          %add3A_268 = arith.addi %mul3A_2, %sub3A_267 : i32
          %mul3A_269 = arith.constant 128 : i32
          %mul3A_270 = arith.muli %add3A_268, %mul3A_269 : i32
          %dma_wait3A_271 = arith.constant 1 : i32
          %dma_wait3A_272 = arith.constant 0 : i32
          %dma_wait3A_273 = arith.constant 0 : i32
          %dma_wait3A_274 = tpu.memref_slice %arg6[%dma_wait3A_271, %dma_wait3A_272, %dma_wait3A_273] : memref<4x128x128xf32, #tpu.memory_space<vmem>> -> memref<1x128x128xf32, #tpu.memory_space<vmem>>
          %dma_wait3A_275 = tpu.memref_squeeze %dma_wait3A_274 : memref<1x128x128xf32, #tpu.memory_space<vmem>> -> memref<128x128xf32, #tpu.memory_space<vmem>>
          %dma_wait3A_276 = arith.constant 0 : i32
          %dma_wait3A_277 = tpu.memref_slice %arg4[%mul3A_270, %dma_wait3A_276] : memref<262144x128xf32, #tpu.memory_space<hbm>> -> memref<128x128xf32, #tpu.memory_space<hbm>>
          %dma_wait3A_278 = arith.constant 0 : i32
          %dma_wait3A_279 = tpu.memref_slice %arg4[%mul3A_270, %dma_wait3A_278] : memref<262144x128xf32, #tpu.memory_space<hbm>> -> memref<128x128xf32, #tpu.memory_space<hbm>>
          %dma_wait3A_280 = arith.constant 0 : i32
          %dma_wait3A_281 = arith.constant 0 : i32
          %dma_wait3A_282 = tpu.memref_slice %arg6[%dma_wait3A_271, %dma_wait3A_280, %dma_wait3A_281] : memref<4x128x128xf32, #tpu.memory_space<vmem>> -> memref<1x128x128xf32, #tpu.memory_space<vmem>>
          %dma_wait3A_283 = tpu.memref_squeeze %dma_wait3A_282 : memref<1x128x128xf32, #tpu.memory_space<vmem>> -> memref<128x128xf32, #tpu.memory_space<vmem>>
          tpu.wait_dma2 semaphore(%arg13 : memref<!tpu.dma_semaphore, #tpu.memory_space<semaphore_mem>>) src(%dma_wait3A_283 : memref<128x128xf32, #tpu.memory_space<vmem>>) dst(%dma_wait3A_279 : memref<128x128xf32, #tpu.memory_space<hbm>>)
        } else {
        }
        %dma_start3A_256 = arith.constant 1 : i32
        %dma_start3A_257 = arith.constant 0 : i32
        %dma_start3A_258 = arith.constant 0 : i32
        %dma_start3A_259 = tpu.memref_slice %arg6[%dma_start3A_256, %dma_start3A_257, %dma_start3A_258] : memref<4x128x128xf32, #tpu.memory_space<vmem>> -> memref<1x128x128xf32, #tpu.memory_space<vmem>>
        %dma_start3A_260 = tpu.memref_squeeze %dma_start3A_259 : memref<1x128x128xf32, #tpu.memory_space<vmem>> -> memref<128x128xf32, #tpu.memory_space<vmem>>
        %dma_start3A_261 = arith.constant 0 : i32
        %dma_start3A_262 = tpu.memref_slice %arg5[%add3A_246, %dma_start3A_261] : memref<64x128xi32, #tpu.memory_space<vmem>> -> memref<1x128xi32, #tpu.memory_space<vmem>>
        %dma_start3A_263 = tpu.memref_squeeze %dma_start3A_262 : memref<1x128xi32, #tpu.memory_space<vmem>> -> memref<128xi32, #tpu.memory_space<vmem>>
        %dma_start3A_264 = arith.constant 0 : i32
        %dma_start3A_265 = arith.constant 0 : i32
        %dma_start3A_266 = tpu.memref_slice %arg7[%dma_start3A_264, %dma_start3A_265] : memref<2048x128xf32, #tpu.memory_space<vmem_shared>> -> memref<2048x128xf32, #tpu.memory_space<vmem_shared>>
        tpu.enqueue_indirect_dma source(%dma_start3A_266 : memref<2048x128xf32, #tpu.memory_space<vmem_shared>>) target(%dma_start3A_260 : memref<128x128xf32, #tpu.memory_space<vmem>>) offsets(%dma_start3A_263 : memref<128xi32, #tpu.memory_space<vmem>>) semaphore(%arg9 : memref<!tpu.dma_semaphore, #tpu.memory_space<semaphore_mem>>)
      } else {
      }
    }
    %scan3A_32 = arith.constant 16 : i32
    %add3A_33 = arith.constant 60 : i32
    %add3A_34 = arith.addi %mul3A_2, %add3A_33 : i32
    %mul3A_35 = arith.constant 128 : i32
    %mul3A_36 = arith.muli %add3A_34, %mul3A_35 : i32
    %dma_wait3A = arith.constant 0 : i32
    %dma_wait3A_37 = arith.constant 0 : i32
    %dma_wait3A_38 = arith.constant 0 : i32
    %dma_wait3A_39 = tpu.memref_slice %arg6[%dma_wait3A, %dma_wait3A_37, %dma_wait3A_38] : memref<4x128x128xf32, #tpu.memory_space<vmem>> -> memref<1x128x128xf32, #tpu.memory_space<vmem>>
    %dma_wait3A_40 = tpu.memref_squeeze %dma_wait3A_39 : memref<1x128x128xf32, #tpu.memory_space<vmem>> -> memref<128x128xf32, #tpu.memory_space<vmem>>
    %dma_wait3A_41 = arith.constant 0 : i32
    %dma_wait3A_42 = tpu.memref_slice %arg4[%mul3A_36, %dma_wait3A_41] : memref<262144x128xf32, #tpu.memory_space<hbm>> -> memref<128x128xf32, #tpu.memory_space<hbm>>
    %dma_wait3A_43 = arith.constant 0 : i32
    %dma_wait3A_44 = tpu.memref_slice %arg4[%mul3A_36, %dma_wait3A_43] : memref<262144x128xf32, #tpu.memory_space<hbm>> -> memref<128x128xf32, #tpu.memory_space<hbm>>
    %dma_wait3A_45 = arith.constant 0 : i32
    %dma_wait3A_46 = arith.constant 0 : i32
    %dma_wait3A_47 = tpu.memref_slice %arg6[%dma_wait3A, %dma_wait3A_45, %dma_wait3A_46] : memref<4x128x128xf32, #tpu.memory_space<vmem>> -> memref<1x128x128xf32, #tpu.memory_space<vmem>>
    %dma_wait3A_48 = tpu.memref_squeeze %dma_wait3A_47 : memref<1x128x128xf32, #tpu.memory_space<vmem>> -> memref<128x128xf32, #tpu.memory_space<vmem>>
    tpu.wait_dma2 semaphore(%arg12 : memref<!tpu.dma_semaphore, #tpu.memory_space<semaphore_mem>>) src(%dma_wait3A_48 : memref<128x128xf32, #tpu.memory_space<vmem>>) dst(%dma_wait3A_44 : memref<128x128xf32, #tpu.memory_space<hbm>>)
    %add3A_49 = arith.constant 61 : i32
    %add3A_50 = arith.addi %mul3A_2, %add3A_49 : i32
    %mul3A_51 = arith.constant 128 : i32
    %mul3A_52 = arith.muli %add3A_50, %mul3A_51 : i32
    %dma_wait3A_53 = arith.constant 1 : i32
    %dma_wait3A_54 = arith.constant 0 : i32
    %dma_wait3A_55 = arith.constant 0 : i32
    %dma_wait3A_56 = tpu.memref_slice %arg6[%dma_wait3A_53, %dma_wait3A_54, %dma_wait3A_55] : memref<4x128x128xf32, #tpu.memory_space<vmem>> -> memref<1x128x128xf32, #tpu.memory_space<vmem>>
    %dma_wait3A_57 = tpu.memref_squeeze %dma_wait3A_56 : memref<1x128x128xf32, #tpu.memory_space<vmem>> -> memref<128x128xf32, #tpu.memory_space<vmem>>
    %dma_wait3A_58 = arith.constant 0 : i32
    %dma_wait3A_59 = tpu.memref_slice %arg4[%mul3A_52, %dma_wait3A_58] : memref<262144x128xf32, #tpu.memory_space<hbm>> -> memref<128x128xf32, #tpu.memory_space<hbm>>
    %dma_wait3A_60 = arith.constant 0 : i32
    %dma_wait3A_61 = tpu.memref_slice %arg4[%mul3A_52, %dma_wait3A_60] : memref<262144x128xf32, #tpu.memory_space<hbm>> -> memref<128x128xf32, #tpu.memory_space<hbm>>
    %dma_wait3A_62 = arith.constant 0 : i32
    %dma_wait3A_63 = arith.constant 0 : i32
    %dma_wait3A_64 = tpu.memref_slice %arg6[%dma_wait3A_53, %dma_wait3A_62, %dma_wait3A_63] : memref<4x128x128xf32, #tpu.memory_space<vmem>> -> memref<1x128x128xf32, #tpu.memory_space<vmem>>
    %dma_wait3A_65 = tpu.memref_squeeze %dma_wait3A_64 : memref<1x128x128xf32, #tpu.memory_space<vmem>> -> memref<128x128xf32, #tpu.memory_space<vmem>>
    tpu.wait_dma2 semaphore(%arg13 : memref<!tpu.dma_semaphore, #tpu.memory_space<semaphore_mem>>) src(%dma_wait3A_65 : memref<128x128xf32, #tpu.memory_space<vmem>>) dst(%dma_wait3A_61 : memref<128x128xf32, #tpu.memory_space<hbm>>)
    %add3A_66 = arith.constant 62 : i32
    %add3A_67 = arith.addi %mul3A_2, %add3A_66 : i32
    %mul3A_68 = arith.constant 128 : i32
    %mul3A_69 = arith.muli %add3A_67, %mul3A_68 : i32
    %dma_wait3A_70 = arith.constant 2 : i32
    %dma_wait3A_71 = arith.constant 0 : i32
    %dma_wait3A_72 = arith.constant 0 : i32
    %dma_wait3A_73 = tpu.memref_slice %arg6[%dma_wait3A_70, %dma_wait3A_71, %dma_wait3A_72] : memref<4x128x128xf32, #tpu.memory_space<vmem>> -> memref<1x128x128xf32, #tpu.memory_space<vmem>>
    %dma_wait3A_74 = tpu.memref_squeeze %dma_wait3A_73 : memref<1x128x128xf32, #tpu.memory_space<vmem>> -> memref<128x128xf32, #tpu.memory_space<vmem>>
    %dma_wait3A_75 = arith.constant 0 : i32
    %dma_wait3A_76 = tpu.memref_slice %arg4[%mul3A_69, %dma_wait3A_75] : memref<262144x128xf32, #tpu.memory_space<hbm>> -> memref<128x128xf32, #tpu.memory_space<hbm>>
    %dma_wait3A_77 = arith.constant 0 : i32
    %dma_wait3A_78 = tpu.memref_slice %arg4[%mul3A_69, %dma_wait3A_77] : memref<262144x128xf32, #tpu.memory_space<hbm>> -> memref<128x128xf32, #tpu.memory_space<hbm>>
    %dma_wait3A_79 = arith.constant 0 : i32
    %dma_wait3A_80 = arith.constant 0 : i32
    %dma_wait3A_81 = tpu.memref_slice %arg6[%dma_wait3A_70, %dma_wait3A_79, %dma_wait3A_80] : memref<4x128x128xf32, #tpu.memory_space<vmem>> -> memref<1x128x128xf32, #tpu.memory_space<vmem>>
    %dma_wait3A_82 = tpu.memref_squeeze %dma_wait3A_81 : memref<1x128x128xf32, #tpu.memory_space<vmem>> -> memref<128x128xf32, #tpu.memory_space<vmem>>
    tpu.wait_dma2 semaphore(%arg14 : memref<!tpu.dma_semaphore, #tpu.memory_space<semaphore_mem>>) src(%dma_wait3A_82 : memref<128x128xf32, #tpu.memory_space<vmem>>) dst(%dma_wait3A_78 : memref<128x128xf32, #tpu.memory_space<hbm>>)
    %add3A_83 = arith.constant 63 : i32
    %add3A_84 = arith.addi %mul3A_2, %add3A_83 : i32
    %mul3A_85 = arith.constant 128 : i32
    %mul3A_86 = arith.muli %add3A_84, %mul3A_85 : i32
    %dma_wait3A_87 = arith.constant 3 : i32
    %dma_wait3A_88 = arith.constant 0 : i32
    %dma_wait3A_89 = arith.constant 0 : i32
    %dma_wait3A_90 = tpu.memref_slice %arg6[%dma_wait3A_87, %dma_wait3A_88, %dma_wait3A_89] : memref<4x128x128xf32, #tpu.memory_space<vmem>> -> memref<1x128x128xf32, #tpu.memory_space<vmem>>
    %dma_wait3A_91 = tpu.memref_squeeze %dma_wait3A_90 : memref<1x128x128xf32, #tpu.memory_space<vmem>> -> memref<128x128xf32, #tpu.memory_space<vmem>>
    %dma_wait3A_92 = arith.constant 0 : i32
    %dma_wait3A_93 = tpu.memref_slice %arg4[%mul3A_86, %dma_wait3A_92] : memref<262144x128xf32, #tpu.memory_space<hbm>> -> memref<128x128xf32, #tpu.memory_space<hbm>>
    %dma_wait3A_94 = arith.constant 0 : i32
    %dma_wait3A_95 = tpu.memref_slice %arg4[%mul3A_86, %dma_wait3A_94] : memref<262144x128xf32, #tpu.memory_space<hbm>> -> memref<128x128xf32, #tpu.memory_space<hbm>>
    %dma_wait3A_96 = arith.constant 0 : i32
    %dma_wait3A_97 = arith.constant 0 : i32
    %dma_wait3A_98 = tpu.memref_slice %arg6[%dma_wait3A_87, %dma_wait3A_96, %dma_wait3A_97] : memref<4x128x128xf32, #tpu.memory_space<vmem>> -> memref<1x128x128xf32, #tpu.memory_space<vmem>>
    %dma_wait3A_99 = tpu.memref_squeeze %dma_wait3A_98 : memref<1x128x128xf32, #tpu.memory_space<vmem>> -> memref<128x128xf32, #tpu.memory_space<vmem>>
    tpu.wait_dma2 semaphore(%arg15 : memref<!tpu.dma_semaphore, #tpu.memory_space<semaphore_mem>>) src(%dma_wait3A_99 : memref<128x128xf32, #tpu.memory_space<vmem>>) dst(%dma_wait3A_95 : memref<128x128xf32, #tpu.memory_space<hbm>>)
    return
  }
}

</mosaic_0001>

<sc_bundles>
// kernel: kernel.3.cloned.1.call-start
scs
__scs_entry_jumppad:
0x0: {  	(pc) =	sbr.rel $0x88, $3  }
0x1: {  	(tag) =	ssettag $0x0;
	lr =	simm.s32 $0x1  }
0x2: {  	[smem:$0x3F9F] =	sst lr;
	_ =	strace $0xD0000000  }
0x3: {  	_ = 	snop  }
0x4: {  	_ = 	snop  }
0x5: {  	_ = 	snop  }
0x6: {  	_ = 	snop  }
0x7: {  	_ = 	snop  }
__scs_overlays_trampoline_lowered:
0x8: {  	[smem:$0x3FAE] =	sst s0  }
0x9: {  	[smem:$0x3FAF] =	sst s1  }
0xa: {  	[smem:$0x3FB0] =	sst s2  }
0xb: {  	[smem:$0x3FB1] =	sst s3  }
0xc: {  	[smem:$0x3FB2] =	sst s4  }
0xd: {  	[smem:$0x3FB3] =	sst s5  }
0xe: {  	[smem:$0x3FB4] =	sst s6  }
0xf: {  	[smem:$0x3FB5] =	sst s7  }
0x10: {  	[smem:$0x3FB6] =	sst s8  }
0x11: {  	[smem:$0x3FB7] =	sst s9;
	s0 =	simm.s32 @!p0 $0x0  }
0x12: {  	s1 =	sld [smem:$0x3F9D];
	s0 =	simm.s32 @p0 $0x1  }
0x13: {  	[smem:$0x3FB8] =	sst s0;
	s0 =	simm.s32 @!p1 $0x0  }
0x14: {  	s2 =	sld [smem:$0x3F9C];
	s0 =	simm.s32 @p1 $0x1  }
0x15: {  	[smem:$0x3FB9] =	sst s0;
	s0 =	simm.s32 @!p2 $0x0  }
0x16: {  	s3 =	sld [smem:$0x3FDB];
	s0 =	simm.s32 @p2 $0x1  }
0x17: {  	s4 =	simm.s32 $0x1BF5;
	[smem:$0x3FBB] =	sst s0  }
0x18: {  	s0 =	sld [smem:$0x3F9E];
	_ =	swait.ge [sflag:s4], $0x0  }
0x19: {  	s7 =	sld [smem:$0x3F9F]  }
0x1a: {  	s8 =	sadd.s32 $0xFFFFE003, lr  }
0x1b: {  	s9 =	sadd.s32 $0xFFFFFEF7, lr;
	s5 =	simm.s32 $0xFFFFFFFF;
	p2 =	slt.u32 s8, $0xFFFFF086  }
0x1c: {  	p1 =	slt.u32 s9, $0xF7A;
	s5 =	simm.s32 @!p2 $0x0  }
0x1d: {  	s5 =	simm.s32 @p1 $0x1;
	p0 =	seq.s32 s7, s2  }
0x1e: {  	s7 =	smul.u32 @!p0 $0xF7A, s2;
	p2 =	seq.s32 @!p0 s5, $0x0  }
0x1f: {  	s9 =	smul.u32 $0xF7A, s1;
	s8 =	simm.s32 @!p0 $0x1BF5;
	p2 =	por !p2, p0  }
0x20: {  	[sflag:s8] =	ssyncset.s32 @!p0 $0xFFFFF086;
	s6 =	sadd.s32 @!p0 s3, s7;
	s7 =	simm.s32 @!p0 $0x108  }
0x21: {  	s3 =	sadd.s32 s3, s9;
	s6 =	sadd.s32 @!p0 $0x88, s6;
	s7 =	simm.s32 @p2 $0x1082  }
0x22: {  	[simem:s7], [sflag:s8] =	dma.local @!p0 [hbm:s6], $0xF7A  }
0x23: {  	s9 =	sor.u32 $0xD0000000, s2;
	s6 =	simm.s32 $0x108;
	_ =	swait.ge @!p0 [sflag:s8], $0x0  }
0x24: {  	s3 =	sadd.s32 $0x88, s3;
	s6 =	simm.s32 @!p1 $0x1082;
	[sflag:s4] =	ssyncset.s32 $0xFFFFF086  }
0x25: {  	[simem:s6], [sflag:s4] =	dma.local [hbm:s3], $0xF7A  }
0x26: {  	[smem:$0x3F9F] =	sst s1;
	(tag) =	ssettag s2;
	_ =	strace s9  }
0x27: {  	s1 =	sld [smem:$0x3FAF]  }
0x28: {  	s2 =	sld [smem:$0x3FB0]  }
0x29: {  	s4 =	sld [smem:$0x3FB2]  }
0x2a: {  	p0 =	seq.s32 s5, $0x0;
	s5 =	sld [smem:$0x3FB3]  }
0x2b: {  	s6 =	sld [smem:$0x3FB4]  }
0x2c: {  	s7 =	sld [smem:$0x3FB5]  }
0x2d: {  	s3 =	simm.s32 $0x108;
	s8 =	sld [smem:$0x3FB6]  }
0x2e: {  	s3 =	simm.s32 @!p0 $0x1082;
	s9 =	sld [smem:$0x3FB7]  }
0x2f: {  	lr =	sadd.s32 s0, s3;
	s0 =	sld [smem:$0x3FAE]  }
0x30: {  	s3 =	sld [smem:$0x3FB1]  }
0x31: {  	[smem:$0x3FBA] =	sst s10  }
0x32: {  	s10 =	sld [smem:$0x3FB8];
	_ =	sdelay $0x3  }
0x33: {  	p0 =	seq.s32 s10, $0x1;
	s10 =	sld [smem:$0x3FBA];
	_ =	sdelay $0x3  }
0x34: {  	[smem:$0x3FBA] =	sst s10  }
0x35: {  	s10 =	sld [smem:$0x3FB9];
	_ =	sdelay $0x3  }
0x36: {  	p1 =	seq.s32 s10, $0x1;
	s10 =	sld [smem:$0x3FBA];
	_ =	sdelay $0x3  }
0x37: {  	[smem:$0x3FBA] =	sst s10  }
0x38: {  	s10 =	sld [smem:$0x3FBB]  }
0x39: {  	_ = 	snop;
	(pc) =	sbr.ind lr, $3  }
0x3a: {  	_ = 	snop  }
0x3b: {  	_ = 	snop  }
0x3c: {  	p2 =	seq.s32 s10, $0x1;
	s10 =	sld [smem:$0x3FBA]  }
0x3d: {  	_ =	shalt  }
0x3e: {  	_ =	shalt  }
0x3f: {  	_ =	shalt  }
0x40: {  	_ =	shalt  }
0x41: {  	_ =	shalt  }
0x42: {  	_ =	shalt  }
0x43: {  	_ =	shalt  }
0x44: {  	_ =	shalt  }
0x45: {  	_ =	shalt  }
0x46: {  	_ =	shalt  }
0x47: {  	_ =	shalt  }
0x48: {  	_ =	shalt  }
0x49: {  	_ =	shalt  }
0x4a: {  	_ =	shalt  }
0x4b: {  	_ =	shalt  }
0x4c: {  	_ =	shalt  }
0x4d: {  	_ =	shalt  }
0x4e: {  	_ =	shalt  }
0x4f: {  	_ =	shalt  }
0x50: {  	_ =	shalt  }
0x51: {  	_ =	shalt  }
0x52: {  	_ =	shalt  }
0x53: {  	_ =	shalt  }
0x54: {  	_ =	shalt  }
0x55: {  	_ =	shalt  }
0x56: {  	_ =	shalt  }
0x57: {  	_ =	shalt  }
0x58: {  	_ =	shalt  }
0x59: {  	_ =	shalt  }
0x5a: {  	_ =	shalt  }
0x5b: {  	_ =	shalt  }
0x5c: {  	_ =	shalt  }
0x5d: {  	_ =	shalt  }
0x5e: {  	_ =	shalt  }
0x5f: {  	_ =	shalt  }
0x60: {  	_ =	shalt  }
0x61: {  	_ =	shalt  }
0x62: {  	_ =	shalt  }
0x63: {  	_ =	shalt  }
0x64: {  	_ =	shalt  }
0x65: {  	_ =	shalt  }
0x66: {  	_ =	shalt  }
0x67: {  	_ =	shalt  }
0x68: {  	_ =	shalt  }
0x69: {  	_ =	shalt  }
0x6a: {  	_ =	shalt  }
0x6b: {  	_ =	shalt  }
0x6c: {  	_ =	shalt  }
0x6d: {  	_ =	shalt  }
0x6e: {  	_ =	shalt  }
0x6f: {  	_ =	shalt  }
0x70: {  	_ =	shalt  }
0x71: {  	_ =	shalt  }
0x72: {  	_ =	shalt  }
0x73: {  	_ =	shalt  }
0x74: {  	_ =	shalt  }
0x75: {  	_ =	shalt  }
0x76: {  	_ =	shalt  }
0x77: {  	_ =	shalt  }
0x78: {  	_ =	shalt  }
0x79: {  	_ =	shalt  }
0x7a: {  	_ =	shalt  }
0x7b: {  	_ =	shalt  }
0x7c: {  	_ =	shalt  }
0x7d: {  	_ =	shalt  }
0x7e: {  	_ =	shalt  }
0x7f: {  	_ =	shalt  }
0x80: {  	_ =	shalt  }
0x81: {  	_ =	shalt  }
0x82: {  	_ =	shalt  }
0x83: {  	_ =	shalt  }
0x84: {  	_ =	shalt  }
0x85: {  	_ =	shalt  }
0x86: {  	_ =	shalt  }
0x87: {  	_ =	shalt  }
.Lfunc_end0:
.L_simem_size_0:
called_computation_lowered:
.L_overlay_start_0:
0x88: {  	s2 =	sld [smem:$0x3FD9]  }
0x89: {  	s3 =	sld [smem:$0x3FFE];
	_ =	sdelay $0x1  }
0x8a: {  	s1 =	srdreg.scid  }
0x8b: {  	s0 =	sand.u32 $0x1, s1  }
0x8c: {  	s17 =	sshll.u32 s0, $0xA;
	s2 =	sadd.s32 s3, s2  }
0x8d: {  	s2 =	sadd.s32 s2, s17  }
0x8e: {  	[smem:$0x3FC6] =	sst s2  }
0x8f: {  	_ = 	snop  }
0x90: {  	s2 =	sld [smem:$0x3FC8]  }
0x91: {  	s18 =	sld [smem:$0x3FD0];
	(tm) =	ssettm $0x1  }
0x92: {  	s4 =	sld [smem:$0x3FFB];
	_ =	sdelay $0x3  }
0x93: {  	_ =	strace s4  }
0x94: {  	s4 =	sld [smem:$0x3FFC];
	_ =	sdelay $0x3  }
0x95: {  	_ =	strace s4  }
0x96: {  	s4 =	sld [smem:$0x3FFD];
	_ =	sdelay $0x3  }
0x97: {  	_ =	strace s4  }
0x98: {  	_ =	strace $0x8FFFFFFF  }
0x99: {  	s19 =	sld [smem:$0x3FDB];
	_ =	sdelay $0x1  }
0x9a: {  	s5 =	simm.s32 $_scs_section_size  }
0x9b: {  	s6 =	simm.s32 $_size__tile_overlayer_lowered;
	s7 =	simm.s32 $_tile_overlayer_lowered  }
0x9c: {  	s22 =	simm.s32 $0x1BFF;
	s21 =	sshll.u32 s7, $0x1;
	s4 =	sadd.s32 s5, s19  }
0x9d: {  	s8 =	simm.s32 $0x0;
	s20 =	sshll.u32 s6, $0x1;
	s6 =	sadd.s32 s21, s4  }
0x9e: {  	[timem:s8], [sflag:s22] =	dma.local [hbm:s6], s20  }
0x9f: {  	_ =	swait.ge [sflag:s22], s20  }
0xa0: {  	s5 =	ssub.s32 $0x0, s20;
	[sflag:s22] =	ssyncset.done $0x0  }
0xa1: {  	[sflag:s22] =	ssyncadd.s32 s5;
	_ =	sdelay $0x1  }
0xa2: {  	s23 =	simm.s32 $0x1B8B  }
0xa3: {  	_ =	swait.ge [sflag:s23], $0x1  }
0xa4: {  	[sflag:s23] =	ssyncset.done $0x0  }
0xa5: {  	s25 =	simm.s32 $0x1B8E;
	s24 =	sld [smem:$0x3FFE];
	[sflag:s23] =	ssyncadd.s32 $0xFFFFFFFF  }
0xa6: {  	s26 =	simm.s32 $execute0_lowered;
	[smem:$0x3FD2] =	sst s25  }
0xa7: {  	s6 =	sshll.u32 s26, $0x1;
	_ =	strace $0x80000046;
	[dreg:$0x1] =	wrdreg $0xFFFFFFFF  }
0xa8: {  	s28 =	simm.s32 $_size_execute0_lowered;
	s4 =	sadd.s32 s4, s6;
	[dreg:$0x0] =	wrdreg $0x0  }
0xa9: {  	s6 =	sshll.u32 s28, $0x1;
	[dreg:$0x2] =	wrdreg s4  }
0xaa: {  	[dreg:$0x3] =	wrdreg s6  }
0xab: {  	[dreg:$0x4] =	wrdreg $0xC0  }
0xac: {  	_ =	task [dreg:s8], $0x5FFFF  }
0xad: {  	[dreg:$0x1] =	wrdreg $0xFFFFFFFF  }
0xae: {  	[dreg:$0x0] =	wrdreg $0x60  }
0xaf: {  	[dreg:$0x2] =	wrdreg s24  }
0xb0: {  	[dreg:$0x3] =	wrdreg s2  }
0xb1: {  	[dreg:$0x4] =	wrdreg s18  }
0xb2: {  	[dreg:$0x5] =	wrdreg $0x120000  }
0xb3: {  	[dreg:$0x6] =	wrdreg $0x9  }
0xb4: {  	_ =	task.clear_ibuf [dreg:s8], $0x7FFFF;
	_ =	strace $0x90000046  }
0xb5: {  	s29 =	simm.s32 $0x9;
	_ =	strace $0x80000048  }
0xb6: {  	_ =	swait.ge [sflag:s29], $0x1  }
0xb7: {  	[sflag:s29] =	ssyncadd.s32 $0xFFFFFFFF  }
0xb8: {  	_ =	strace $0x90000048  }
0xb9: {  	_ =	sfence  }
0xba: {  	s30 =	sld [smem:$0x0];
	_ =	sdelay $0x2  }
0xbb: {  	s31 =	sshll.u32 s1, $0xD;
	s1 =	sshrl.u32 s1, $0x2  }
0xbc: {  	s3 =	sand.u32 $0x4000, s31;
	s1 =	sadd.s32 s1, s30  }
0xbd: {  	s0 =	sor.u32 s3, s0;
	s1 =	sshll.u32 s1, $0x11  }
0xbe: {  	s0 =	sor.u32 s1, s0  }
0xbf: {  	s0 =	sadd.s32 $0x8F2B, s0  }
0xc0: {  	[sflag:s0] =	ssyncadd.remote.s32 $0x1  }
0xc1: {  	_ =	sfence.sel $0xFFFF  }
0xc2: {  	[dreg:$0x0] =	wrdreg $0xFFFFFFFF;
	(pc) =	sbr.abs _section_cstart, $3  }
0xc3: {  	[dreg:$0x1] =	wrdreg $0xFFFFFFFF  }
0xc4: {  	_ =	task.clear_ibuf [dreg:s8], $0x2FFFF;
	_ =	strace $0x9FFFFFFF  }
0xc5: {  	(tm) =	ssettm $0x7FFFFFFF  }
tec
execute0_lowered:
.L_overlay_start_1:
0x0: {  	(tag) =	ssettag $0x1  }
0x1: {  	s0 =	rddreg [dreg:$0x0]  }
0x2: {  	s1 =	rddreg [dreg:$0x2]  }
0x3: {  	s2 =	rddreg [dreg:$0x3];
	s4 =	srdreg.scid  }
0x4: {  	s3 =	simm.s32 $0x0;
	s11 =	stileid.u32;
	s13 =	simm.s32 $0x9  }
0x5: {  	s14 =	simm.s32 $0x80;
	s15 =	simm.s32 $0x2000;
	s16 =	simm.s32 $0x6000  }
0x6: {  	s17 =	simm.s32 $0x1;
	s19 =	simm.s32 $0xA000;
	s20 =	simm.s32 $0x2  }
0x7: {  	s22 =	simm.s32 $0xE000;
	s28 =	simm.s32 $0x6;
	s29 =	simm.s32 $0x280  }
0x8: {  	s30 =	simm.s32 $0x7;
	s31 =	simm.s32 $0x8;
	s10 =	sand.u32 $0x1, s4  }
0x9: {  	[smem:$0x7FF] =	sst s3;
	s23 =	sshll.u32 s11, $0x7;
	s25 =	sshll.u32 s11, $0x12  }
0xa: {  	p0 =	sne.s32 s11, $0x0;
	s5 =	sshll.u32 s10, $0x6;
	_ =	strace $0x80000047  }
0xb: {  	s6 =	ssub.s32 $0x2, s10;
	s26 =	sshll.u32 s10, $0x11;
	s12 =	sshrl.u32 @!p0 s2, $0x3  }
0xc: {  	s4 =	sor.u32 s5, s23;
	s24 =	sshrl.u32 s6, $0x1;
	s23 =	simm.s32 $0x3  }
0xd: {  	s5 =	sshll.u32 s4, $0x4;
	s4 =	sshll.u32 s4, $0xB;
	s7 =	ssub.s32 s6, s24  }
.Ltmp0:
0xe: {  	s24 =	simm.s32 $0x5;
	s0 =	sadd.s32 s5, s0;
	(pc) =	sbr.rel .LBB2_1-.Ltmp0, $4  }
0xf: {  	s4 =	sadd.s32 s1, s4;
	s7 =	smax.u32 s7, $0x1;
	s5 =	sadd.s32 $0x400, s0  }
0x10: {  	s6 =	sadd.s32 $0x1F800, s4;
	s8 =	sadd.s32 $0x800, s4;
	s0 =	sadd.s32 s25, s1  }
0x11: {  	s9 =	sadd.s32 $0x1000, s4;
	s10 =	sadd.s32 $0x1800, s4;
	s0 =	sadd.s32 s26, s0  }
0x12: {  	s26 =	simm.s32 $0x4;
	s1 =	sadd.s32 $0x2000, s0;
	s0 =	simm.s32 $0x0  }
.LBB2_4:
0x13: {  	_ =	swait.ge [sflag:s26], $0x4000  }
0x14: {  	[sflag:s26] =	ssyncset.done $0x0  }
0x15: {  	[sflag:s26] =	ssyncadd.s32 $0xFFFFC000  }
0x16: {  	[hbm4b:s6+s3] =	stream.linear.scatter [tilespmem:s22], [sflag:$0x8], $0x4000, $0x38;
	[tilespmem:$0x16000] =	vst v63  }
0x17: {  	_ =	swait.ge [sflag:s24], $0x4000  }
0x18: {  	[sflag:s24] =	ssyncset.done $0x0  }
0x19: {  	[sflag:s24] =	ssyncadd.s32 $0xFFFFC000  }
0x1a: {  	_ =	swait.ge [sflag:s28], $0x4000  }
0x1b: {  	[sflag:s28] =	ssyncset.done $0x0  }
0x1c: {  	s0 =	sadd.s32 $0x1, s0;
	[sflag:s28] =	ssyncadd.s32 $0xFFFFC000  }
0x1d: {  	p1 =	sne.s32 s0, s7;
	_ =	swait.ge [sflag:s30], $0x4000  }
.Ltmp1:
0x1e: {  	[sflag:s30] =	ssyncset.done $0x0;
	(pc) =	sbr.rel @!p1 .LBB2_5-.Ltmp1, $4  }
0x1f: {  	[sflag:s30] =	ssyncadd.s32 $0xFFFFC000  }
0x20: {  	_ =	swait.ge [sflag:s31], $0x4000  }
0x21: {  	[sflag:s31] =	ssyncset.done $0x0  }
0x22: {  	[sflag:s31] =	ssyncadd.s32 $0xFFFFC000  }
.LBB2_1:
0x23: {  	s11 =	simm.s32 @!p0 $0x1C09;
	s18 =	rddreg [dreg:$0x1]  }
0x24: {  	[spmem:s12], [sflag:s11] =	dma.local @!p0 [hbm:s18], $0x8000  }
0x25: {  	s11 =	simm.s32 @!p0 $0x9  }
0x26: {  	_ =	swait.ge @!p0 [sflag:s11], $0x8000  }
0x27: {  	[sflag:s11] =	ssyncset.done @!p0 $0x0  }
0x28: {  	[sflag:s11] =	ssyncadd.s32 @!p0 $0xFFFF8000  }
0x29: {  	[tilespmem:s3], [sflag:$0x9] =	stream.linear.gather [hbm4b:s5+s3], $0x2000, $0x38;
	[tilespmem:$0x16000] =	vst v63  }
0x2a: {  	_ =	swait.ge [sflag:s13], $0x2000  }
0x2b: {  	[sflag:s13] =	ssyncset.done $0x0  }
0x2c: {  	[sflag:s13] =	ssyncadd.s32 $0xFFFFE000  }
0x2d: {  	[bflag:$0x0] =	sbarrier.arrive $0xFFFF  }
0x2e: {  	[tilespmem:s15], [sflag:$0x1] =	stream.indirect.gather [spmem:s2], $0x80, s3, s14, $0xb8;
	[tilespmem:$0x16000] =	vst v63  }
0x2f: {  	_ = 	snop  }
0x30: {  	[tilespmem:s16], [sflag:$0x2] =	stream.indirect.gather [spmem:s2], $0x80, s14, s14, $0xb8;
	[tilespmem:$0x16000] =	vst v63  }
0x31: {  	_ =	swait.ge [sflag:s17], $0x4000  }
0x32: {  	[sflag:s17] =	ssyncset.done $0x0  }
0x33: {  	[sflag:s17] =	ssyncadd.s32 $0xFFFFC000  }
0x34: {  	[hbm4b:s4+s3] =	stream.linear.scatter [tilespmem:s15], [sflag:$0x5], $0x4000, $0x38;
	[tilespmem:$0x16000] =	vst v63  }
0x35: {  	s18 =	simm.s32 $0x100  }
0x36: {  	[tilespmem:s19], [sflag:$0x3] =	stream.indirect.gather [spmem:s2], $0x80, s18, s14, $0xb8;
	[tilespmem:$0x16000] =	vst v63  }
0x37: {  	_ =	swait.ge [sflag:s20], $0x4000  }
0x38: {  	[sflag:s20] =	ssyncset.done $0x0  }
0x39: {  	[sflag:s20] =	ssyncadd.s32 $0xFFFFC000  }
0x3a: {  	[hbm4b:s8+s3] =	stream.linear.scatter [tilespmem:s16], [sflag:$0x6], $0x4000, $0x38;
	[tilespmem:$0x16000] =	vst v63  }
0x3b: {  	s21 =	simm.s32 $0x180  }
0x3c: {  	[tilespmem:s22], [sflag:$0x4] =	stream.indirect.gather [spmem:s2], $0x80, s21, s14, $0xb8;
	[tilespmem:$0x16000] =	vst v63  }
0x3d: {  	_ =	swait.ge [sflag:s23], $0x4000  }
0x3e: {  	[sflag:s23] =	ssyncset.done $0x0  }
0x3f: {  	[sflag:s23] =	ssyncadd.s32 $0xFFFFC000  }
0x40: {  	[hbm4b:s9+s3] =	stream.linear.scatter [tilespmem:s19], [sflag:$0x7], $0x4000, $0x38;
	[tilespmem:$0x16000] =	vst v63  }
0x41: {  	_ =	swait.ge [sflag:s24], $0x4000  }
0x42: {  	[sflag:s24] =	ssyncset.done $0x0  }
0x43: {  	s25 =	simm.s32 $0x200;
	[sflag:s24] =	ssyncadd.s32 $0xFFFFC000  }
0x44: {  	[tilespmem:s15], [sflag:$0x1] =	stream.indirect.gather [spmem:s2], $0x80, s25, s14, $0xb8;
	[tilespmem:$0x16000] =	vst v63  }
0x45: {  	_ =	swait.ge [sflag:s26], $0x4000  }
0x46: {  	[sflag:s26] =	ssyncset.done $0x0  }
0x47: {  	[sflag:s26] =	ssyncadd.s32 $0xFFFFC000  }
0x48: {  	[hbm4b:s10+s3] =	stream.linear.scatter [tilespmem:s22], [sflag:$0x8], $0x4000, $0x38;
	[tilespmem:$0x16000] =	vst v63  }
0x49: {  	_ =	swait.ge [sflag:s28], $0x4000  }
0x4a: {  	[sflag:s28] =	ssyncset.done $0x0  }
0x4b: {  	s11 =	smov.u32 s1;
	s18 =	simm.s32 $0x0;
	[sflag:s28] =	ssyncadd.s32 $0xFFFFC000  }
0x4c: {  	[tilespmem:s16], [sflag:$0x2] =	stream.indirect.gather [spmem:s2], $0x80, s29, s14, $0xb8;
	[tilespmem:$0x16000] =	vst v63  }
.LBB2_2:
0x4d: {  	_ =	swait.ge [sflag:s17], $0x4000  }
0x4e: {  	[sflag:s17] =	ssyncset.done $0x0  }
0x4f: {  	[sflag:s17] =	ssyncadd.s32 $0xFFFFC000  }
0x50: {  	[hbm4b:s11+s3] =	stream.linear.scatter [tilespmem:s15], [sflag:$0x5], $0x4000, $0x38;
	[tilespmem:$0x16000] =	vst v63  }
0x51: {  	_ =	swait.ge [sflag:s30], $0x4000  }
0x52: {  	s21 =	sshra.s32 s18, $0x2;
	[sflag:s30] =	ssyncset.done $0x0  }
0x53: {  	s25 =	sadd.s32 $0x300, s21;
	[sflag:s30] =	ssyncadd.s32 $0xFFFFC000  }
0x54: {  	[tilespmem:s19], [sflag:$0x3] =	stream.indirect.gather [spmem:s2], $0x80, s25, s14, $0xb8;
	[tilespmem:$0x16000] =	vst v63  }
0x55: {  	_ =	swait.ge [sflag:s20], $0x4000  }
0x56: {  	[sflag:s20] =	ssyncset.done $0x0  }
0x57: {  	s25 =	sadd.s32 $0x800, s11;
	[sflag:s20] =	ssyncadd.s32 $0xFFFFC000  }
0x58: {  	[hbm4b:s25+s3] =	stream.linear.scatter [tilespmem:s16], [sflag:$0x6], $0x4000, $0x38;
	[tilespmem:$0x16000] =	vst v63  }
0x59: {  	_ =	swait.ge [sflag:s31], $0x4000  }
0x5a: {  	[sflag:s31] =	ssyncset.done $0x0  }
0x5b: {  	p1 =	seq.s32 s18, $0x7000;
	s25 =	sadd.s32 $0x380, s21;
	[sflag:s31] =	ssyncadd.s32 $0xFFFFC000  }
0x5c: {  	[tilespmem:s22], [sflag:$0x4] =	stream.indirect.gather [spmem:s2], $0x80, s25, s14, $0xb8;
	[tilespmem:$0x16000] =	vst v63  }
.Ltmp2:
0x5d: {  	_ = 	snop;
	(pc) =	sbr.rel @p1 .LBB2_4-.Ltmp2, $4  }
0x5e: {  	_ =	swait.ge [sflag:s23], $0x4000  }
0x5f: {  	[sflag:s23] =	ssyncset.done $0x0  }
0x60: {  	s25 =	sadd.s32 $0x1000, s11;
	[sflag:s23] =	ssyncadd.s32 $0xFFFFC000  }
0x61: {  	[hbm4b:s25+s3] =	stream.linear.scatter [tilespmem:s19], [sflag:$0x7], $0x4000, $0x38;
	[tilespmem:$0x16000] =	vst v63  }
0x62: {  	_ =	swait.ge [sflag:s24], $0x4000  }
0x63: {  	[sflag:s24] =	ssyncset.done $0x0  }
0x64: {  	s25 =	sadd.s32 $0x400, s21;
	[sflag:s24] =	ssyncadd.s32 $0xFFFFC000  }
0x65: {  	[tilespmem:s15], [sflag:$0x1] =	stream.indirect.gather [spmem:s2], $0x80, s25, s14, $0xb8;
	[tilespmem:$0x16000] =	vst v63  }
0x66: {  	_ =	swait.ge [sflag:s26], $0x4000  }
0x67: {  	[sflag:s26] =	ssyncset.done $0x0  }
0x68: {  	s25 =	sadd.s32 $0x1800, s11;
	[sflag:s26] =	ssyncadd.s32 $0xFFFFC000  }
0x69: {  	[hbm4b:s25+s3] =	stream.linear.scatter [tilespmem:s22], [sflag:$0x8], $0x4000, $0x38;
	[tilespmem:$0x16000] =	vst v63  }
.Ltmp3:
0x6a: {  	_ = 	snop;
	(pc) =	sbr.rel .LBB2_2-.Ltmp3, $4  }
0x6b: {  	_ =	swait.ge [sflag:s28], $0x4000  }
0x6c: {  	s18 =	sadd.s32 $0x800, s18;
	[sflag:s28] =	ssyncset.done $0x0  }
0x6d: {  	s11 =	sadd.s32 $0x2000, s11;
	s25 =	sadd.s32 $0x480, s21;
	[sflag:s28] =	ssyncadd.s32 $0xFFFFC000  }
0x6e: {  	[tilespmem:s16], [sflag:$0x2] =	stream.indirect.gather [spmem:s2], $0x80, s25, s14, $0xb8;
	[tilespmem:$0x16000] =	vst v63  }
.LBB2_5:
0x6f: {  	_ =	sfence.sel $0x180000  }
0x70: {  	[bflag:$0x0] =	sbarrier.arrive $0xFFFF  }
0x71: {  	_ =	strace $0x90000047  }
0x72: {  	[bflag:$0x2] =	sbarrier.arrive $0xFFFF  }
0x73: {  	s0 =	rddreg [dreg:$0x4]  }
0x74: {  	s0 =	sadd.s32 @!p0 $0x100000, s0  }
0x75: {  	[sflag:s0] =	ssyncadd.tile.s32 @!p0 $0x1;
	_ =	shalt  }
.Lfunc_end2:
_tile_overlayer_lowered:
.L_overlay_start_2:
0x76: {  	(tag) =	ssettag $0x2  }
0x77: {  	s0 =	rddreg [dreg:$0x0];
	s2 =	stileid.u32  }
0x78: {  	s1 =	rddreg [dreg:$0x1];
	p0 =	sne.s32 s2, $0x0  }
0x79: {  	s3 =	rddreg [dreg:$0x2];
	[bflag:$0x3] =	sbarrier.arrive $0xFFFF;
	s2 =	simm.s32 @!p0 $0x1C09  }
0x7a: {  	[timem:s3], [sflag:s2] =	dma.local @!p0 [hbm:s0], s1  }
0x7b: {  	s0 =	simm.s32 @!p0 $0x9  }
0x7c: {  	_ =	swait.ge @!p0 [sflag:s0], s1  }
0x7d: {  	s1 =	ssub.s32 @!p0 $0x0, s1;
	[sflag:s0] =	ssyncset.done @!p0 $0x0  }
0x7e: {  	[sflag:s0] =	ssyncadd.s32 @!p0 s1  }
0x7f: {  	[bflag:$0x3] =	sbarrier.arrive $0xFFFF  }
0x80: {  	_ =	shalt  }

</sc_bundles>
